<compile_context>
chip_gen: v7x
topology: tpu7x:2x2x1
jax: 0.10.2.dev20260603
libtpu: 0.0.44.dev20260713+nightly
codegen_flags: <defaults>
</compile_context>

<pallas_src>
import jax
import jax.numpy as jnp
from jax import lax
from jax.experimental import pallas as pl
from jax.experimental.pallas import tpu as pltpu
from jax.experimental.pallas import tpu_sc as plsc

L = 16
NW = 32
N = 100000
CHUNK = 3136
LAST = N - (NW - 1) * CHUNK
NSEG = 1024
SEG_PAD = 1040
SENT = 1032
MAX_Z = 89


def _sc_body(po_hbm, nt_hbm, seg_hbm, out_hbm, po_v, nt_v, seg_v, s_v, e_v,
             sem_po, sem_nt, sem_seg):
    c = lax.axis_index("c")
    s = lax.axis_index("s")
    wid = s * 2 + c
    base = wid * CHUNK
    is_last = wid == NW - 1
    nvec = jnp.where(is_last, LAST // L, CHUNK // L)

    pltpu.make_async_copy(po_hbm, po_v.at[pl.ds(0, MAX_Z)], sem_po).start()

    @pl.when(jnp.logical_not(is_last))
    def _():
        pltpu.make_async_copy(
            nt_hbm.at[pl.ds(base, CHUNK)], nt_v, sem_nt).start()
        pltpu.make_async_copy(
            seg_hbm.at[pl.ds(base, CHUNK)], seg_v.at[pl.ds(0, CHUNK)],
            sem_seg).start()

    @pl.when(is_last)
    def _():
        pltpu.make_async_copy(
            nt_hbm.at[pl.ds(base, LAST)], nt_v.at[pl.ds(0, LAST)],
            sem_nt).start()
        pltpu.make_async_copy(
            seg_hbm.at[pl.ds(base, LAST)], seg_v.at[pl.ds(0, LAST)],
            sem_seg).start()

    zeros = jnp.zeros((L,), jnp.float32)

    @plsc.parallel_loop(0, NSEG // L, unroll=4)
    def _(j):
        s_v[pl.ds(j * L, L)] = zeros
        e_v[pl.ds(j * L, L)] = zeros

    pltpu.make_async_copy(po_hbm, po_v.at[pl.ds(0, MAX_Z)], sem_po).wait()

    @pl.when(jnp.logical_not(is_last))
    def _():
        pltpu.make_async_copy(
            nt_hbm.at[pl.ds(base, CHUNK)], nt_v, sem_nt).wait()
        pltpu.make_async_copy(
            seg_hbm.at[pl.ds(base, CHUNK)], seg_v.at[pl.ds(0, CHUNK)],
            sem_seg).wait()

    @pl.when(is_last)
    def _():
        pltpu.make_async_copy(
            nt_hbm.at[pl.ds(base, LAST)], nt_v.at[pl.ds(0, LAST)],
            sem_nt).wait()
        pltpu.make_async_copy(
            seg_hbm.at[pl.ds(base, LAST)], seg_v.at[pl.ds(0, LAST)],
            sem_seg).wait()

    seg_v[pl.ds(nvec * L, L)] = jnp.full((L,), SENT, jnp.int32)

    @plsc.parallel_loop(0, nvec, unroll=4, carry=jnp.float32(0.0))
    def _(i, carry):
        off = i * L
        seg = seg_v[pl.ds(off, L)]
        seg_next = seg_v[pl.ds(off + 1, L)]
        nt = nt_v[pl.ds(off, L)]
        v = plsc.load_gather(po_v, [nt])
        c_incl = plsc.cumsum(v) + carry
        m_end = seg != seg_next
        plsc.store_scatter(e_v, [seg], c_incl, mask=m_end)
        plsc.store_scatter(s_v, [seg_next], c_incl, mask=m_end)
        return lax.squeeze(lax.slice(c_incl, (L - 1,), (L,)), (0,))

    @plsc.parallel_loop(0, NSEG // L, unroll=4)
    def _(j):
        s_v[pl.ds(j * L, L)] = e_v[pl.ds(j * L, L)] - s_v[pl.ds(j * L, L)]

    pltpu.sync_copy(s_v.at[pl.ds(0, NSEG)], out_hbm.at[wid])


_sc_partials = pl.kernel(
    _sc_body,
    out_type=jax.ShapeDtypeStruct((NW, NSEG), jnp.float32),
    mesh=plsc.VectorSubcoreMesh(
        core_axis_name="c", subcore_axis_name="s", num_cores=2, num_subcores=16),
    compiler_params=pltpu.CompilerParams(
        needs_layout_passes=False, disable_bounds_checks=True),
    scratch_types=[
        pltpu.VMEM((96,), jnp.float32),
        pltpu.VMEM((CHUNK,), jnp.int32),
        pltpu.VMEM((CHUNK + L,), jnp.int32),
        pltpu.VMEM((SEG_PAD,), jnp.float32),
        pltpu.VMEM((SEG_PAD,), jnp.float32),
        pltpu.SemaphoreType.DMA,
        pltpu.SemaphoreType.DMA,
        pltpu.SemaphoreType.DMA,
    ],
)


def _reduce_body(in_ref, out_ref):
    out_ref[...] = jnp.sum(in_ref[...], axis=0)


_tc_reduce = pl.pallas_call(
    _reduce_body,
    out_shape=jax.ShapeDtypeStruct((NSEG,), jnp.float32),
)


def kernel(property_offset, node_type, segment_ids):
    partials = _sc_partials(property_offset.astype(jnp.float32),
                            node_type.astype(jnp.int32),
                            segment_ids.astype(jnp.int32))
    return _tc_reduce(partials)

# --- scband reference (transcript-rebuilt; emitter-appended) ---
"""Pipeline reference for scband-atom-ref-14233521619127 (READ-ONLY COPY).

The authoritative reference and input builder live on the scoring server;
editing this copy changes nothing except your own understanding.
"""

import jax, jax.numpy as jnp
import numpy as np

MAX_Z = 89
NUM_GRAPHS = 1024
N_NODES = 100000


def setup_inputs(seed: int = 0) -> dict:
    key = jax.random.key(seed)
    k1, k2 = jax.random.split(key)
    # learned/fit parameter per init_kwargs: 1-D elemental property offsets
    property_offset = jnp.arange(MAX_Z, dtype=jnp.float32) * 0.01
    # g.ndata['node_type']: atomic number per node in the batched graph
    node_type = jax.random.randint(k1, (N_NODES,), 0, MAX_Z, dtype=jnp.int32)
    # DGL batched-graph node->graph assignment (replaces dgl.readout_nodes bookkeeping)
    segment_ids = jnp.sort(jax.random.randint(k2, (N_NODES,), 0, NUM_GRAPHS, dtype=jnp.int32))
    return {"property_offset": property_offset, "node_type": node_type, "segment_ids": segment_ids}


def reference(property_offset, node_type, segment_ids):
    # Faithful translation of AtomRef.forward for 1-D property_offset:
    #   one_hot = eye(num_elements)[node_type]
    #   offset = property_offset.repeat(num_nodes, 1) * one_hot
    #   atomic_offset = sum(offset, 1)
    #   offset_batched = dgl.readout_nodes(g, 'atomic_offset')  -> per-graph sum
    num_elements = property_offset.shape[0]
    one_hot = jnp.eye(num_elements, dtype=property_offset.dtype)[node_type]
    property_offset_batched = property_offset[None, :]  # broadcast == repeat(num_nodes, 1)
    offset = property_offset_batched * one_hot
    atomic_offset = jnp.sum(offset, axis=1)
    offset_batched = jax.ops.segment_sum(atomic_offset, segment_ids, num_segments=NUM_GRAPHS)
    return offset_batched

if __name__ == "__main__":
    import jax
    _d = setup_inputs()
    print(jax.jit(kernel)(*tuple(_d.values())))

</pallas_src>

<mosaic_0001>
#map = affine_map<(d0, d1) -> (0)>
#map1 = affine_map<(d0, d1) -> (0, 0)>
module attributes {stable_mosaic.version = 14 : i64} {
  func.func @_sc_body(%arg0: i32, %arg1: i32, %arg2: memref<89xf32, #tpu.memory_space<hbm>>, %arg3: memref<100000xi32, #tpu.memory_space<hbm>>, %arg4: memref<100000xi32, #tpu.memory_space<hbm>>, %arg5: memref<32x1024xf32, #tpu.memory_space<hbm>>, %arg6: memref<96xf32, #tpu.memory_space<vmem>>, %arg7: memref<3136xi32, #tpu.memory_space<vmem>>, %arg8: memref<3152xi32, #tpu.memory_space<vmem>>, %arg9: memref<1040xf32, #tpu.memory_space<vmem>>, %arg10: memref<1040xf32, #tpu.memory_space<vmem>>, %arg11: memref<!tpu.dma_semaphore, #tpu.memory_space<semaphore_mem>>, %arg12: memref<!tpu.dma_semaphore, #tpu.memory_space<semaphore_mem>>, %arg13: memref<!tpu.dma_semaphore, #tpu.memory_space<semaphore_mem>>) attributes {dimension_semantics = [#tpu.dimension_semantics<core_parallel>, #tpu.dimension_semantics<subcore_parallel>], iteration_bounds = array<i64: 2, 16>, scalar_prefetch = 0 : i64, scratch_operands = 8 : i64, tpu.core_type = #tpu.core_type<sc_vector_subcore>, window_params = [{transform_indices = #map}, {transform_indices = #map}, {transform_indices = #map}, {transform_indices = #map1}]} {
    %mul3A = arith.constant 2 : i32
    %mul3A_0 = arith.muli %arg1, %mul3A : i32
    %add3A = arith.addi %mul3A_0, %arg0 : i32
    %mul3A_1 = arith.constant 3136 : i32
    %mul3A_2 = arith.muli %add3A, %mul3A_1 : i32
    %eq3A = arith.constant 31 : i32
    %eq3A_3 = arith.cmpi eq, %add3A, %eq3A : i32
    %jit3A = arith.constant 174 : i32
    %jit3A_4 = arith.constant 196 : i32
    %select_n3A = arith.select %eq3A_3, %jit3A, %jit3A_4 : i32
    %dma_start3A = arith.constant 0 : i32
    %dma_start3A_5 = tpu.memref_slice %arg6[%dma_start3A] : memref<96xf32, #tpu.memory_space<vmem>> -> memref<89xf32, #tpu.memory_space<vmem>>
    %dma_start3A_6 = arith.constant 0 : i32
    %dma_start3A_7 = tpu.memref_slice %arg6[%dma_start3A_6] : memref<96xf32, #tpu.memory_space<vmem>> -> memref<89xf32, #tpu.memory_space<vmem>>
    tpu.enqueue_dma source(%arg2 : memref<89xf32, #tpu.memory_space<hbm>>) target(%dma_start3A_7 : memref<89xf32, #tpu.memory_space<vmem>>) target_semaphore(%arg11 : memref<!tpu.dma_semaphore, #tpu.memory_space<semaphore_mem>>)
    %not3A = arith.constant true
    %not3A_8 = arith.xori %eq3A_3, %not3A : i1
    %convert_element_type3A = arith.extui %not3A_8 : i1 to i32
    %cond3A = arith.constant 0 : i32
    %cond3A_9 = arith.cmpi ne, %convert_element_type3A, %cond3A : i32
    scf.if %cond3A_9 {
      %dma_start3A_39 = tpu.memref_slice %arg3[%mul3A_2] : memref<100000xi32, #tpu.memory_space<hbm>> -> memref<3136xi32, #tpu.memory_space<hbm>>
      %dma_start3A_40 = tpu.memref_slice %arg3[%mul3A_2] : memref<100000xi32, #tpu.memory_space<hbm>> -> memref<3136xi32, #tpu.memory_space<hbm>>
      tpu.enqueue_dma source(%dma_start3A_40 : memref<3136xi32, #tpu.memory_space<hbm>>) target(%arg7 : memref<3136xi32, #tpu.memory_space<vmem>>) target_semaphore(%arg12 : memref<!tpu.dma_semaphore, #tpu.memory_space<semaphore_mem>>)
      %dma_start3A_41 = arith.constant 0 : i32
      %dma_start3A_42 = tpu.memref_slice %arg8[%dma_start3A_41] : memref<3152xi32, #tpu.memory_space<vmem>> -> memref<3136xi32, #tpu.memory_space<vmem>>
      %dma_start3A_43 = tpu.memref_slice %arg4[%mul3A_2] : memref<100000xi32, #tpu.memory_space<hbm>> -> memref<3136xi32, #tpu.memory_space<hbm>>
      %dma_start3A_44 = arith.constant 0 : i32
      %dma_start3A_45 = tpu.memref_slice %arg8[%dma_start3A_44] : memref<3152xi32, #tpu.memory_space<vmem>> -> memref<3136xi32, #tpu.memory_space<vmem>>
      %dma_start3A_46 = tpu.memref_slice %arg4[%mul3A_2] : memref<100000xi32, #tpu.memory_space<hbm>> -> memref<3136xi32, #tpu.memory_space<hbm>>
      tpu.enqueue_dma source(%dma_start3A_46 : memref<3136xi32, #tpu.memory_space<hbm>>) target(%dma_start3A_45 : memref<3136xi32, #tpu.memory_space<vmem>>) target_semaphore(%arg13 : memref<!tpu.dma_semaphore, #tpu.memory_space<semaphore_mem>>)
    } else {
    }
    %convert_element_type3A_10 = arith.extui %eq3A_3 : i1 to i32
    %cond3A_11 = arith.constant 0 : i32
    %cond3A_12 = arith.cmpi ne, %convert_element_type3A_10, %cond3A_11 : i32
    scf.if %cond3A_12 {
      %dma_start3A_39 = arith.constant 0 : i32
      %dma_start3A_40 = tpu.memref_slice %arg7[%dma_start3A_39] : memref<3136xi32, #tpu.memory_space<vmem>> -> memref<2784xi32, #tpu.memory_space<vmem>>
      %dma_start3A_41 = tpu.memref_slice %arg3[%mul3A_2] : memref<100000xi32, #tpu.memory_space<hbm>> -> memref<2784xi32, #tpu.memory_space<hbm>>
      %dma_start3A_42 = arith.constant 0 : i32
      %dma_start3A_43 = tpu.memref_slice %arg7[%dma_start3A_42] : memref<3136xi32, #tpu.memory_space<vmem>> -> memref<2784xi32, #tpu.memory_space<vmem>>
      %dma_start3A_44 = tpu.memref_slice %arg3[%mul3A_2] : memref<100000xi32, #tpu.memory_space<hbm>> -> memref<2784xi32, #tpu.memory_space<hbm>>
      tpu.enqueue_dma source(%dma_start3A_44 : memref<2784xi32, #tpu.memory_space<hbm>>) target(%dma_start3A_43 : memref<2784xi32, #tpu.memory_space<vmem>>) target_semaphore(%arg12 : memref<!tpu.dma_semaphore, #tpu.memory_space<semaphore_mem>>)
      %dma_start3A_45 = arith.constant 0 : i32
      %dma_start3A_46 = tpu.memref_slice %arg8[%dma_start3A_45] : memref<3152xi32, #tpu.memory_space<vmem>> -> memref<2784xi32, #tpu.memory_space<vmem>>
      %dma_start3A_47 = tpu.memref_slice %arg4[%mul3A_2] : memref<100000xi32, #tpu.memory_space<hbm>> -> memref<2784xi32, #tpu.memory_space<hbm>>
      %dma_start3A_48 = arith.constant 0 : i32
      %dma_start3A_49 = tpu.memref_slice %arg8[%dma_start3A_48] : memref<3152xi32, #tpu.memory_space<vmem>> -> memref<2784xi32, #tpu.memory_space<vmem>>
      %dma_start3A_50 = tpu.memref_slice %arg4[%mul3A_2] : memref<100000xi32, #tpu.memory_space<hbm>> -> memref<2784xi32, #tpu.memory_space<hbm>>
      tpu.enqueue_dma source(%dma_start3A_50 : memref<2784xi32, #tpu.memory_space<hbm>>) target(%dma_start3A_49 : memref<2784xi32, #tpu.memory_space<vmem>>) target_semaphore(%arg13 : memref<!tpu.dma_semaphore, #tpu.memory_space<semaphore_mem>>)
    } else {
    }
    %broadcast_in_dim3A = arith.constant 0.000000e+00 : f32
    %broadcast_in_dim3A_13 = vector.broadcast %broadcast_in_dim3A : f32 to vector<16xf32>
    %parallel_loop3A = arith.constant 0 : i32
    %parallel_loop3A_14 = arith.constant 64 : i32
    %parallel_loop3A_15 = arith.constant 1 : i32
    scf.for %parallel_loop3A_39 = %parallel_loop3A to %parallel_loop3A_14 step %parallel_loop3A_15  : i32 {
      %parallel_loop3A_40 = arith.constant 16 : i32
      %parallel_loop3A_41 = arith.muli %parallel_loop3A_39, %parallel_loop3A_40 : i32
      %parallel_loop3A_42 = arith.index_cast %parallel_loop3A_41 : i32 to index
      %parallel_loop3A_43 = tpu.vector_load %arg9[%parallel_loop3A_42] {strides = array<i32>} : memref<1040xf32, #tpu.memory_space<vmem>>, vector<16xf32>,
      tpu.vector_store %arg9[%parallel_loop3A_42], %broadcast_in_dim3A_13 {strides = array<i32>} : memref<1040xf32, #tpu.memory_space<vmem>>, vector<16xf32>,
      %parallel_loop3A_44 = arith.constant 16 : i32
      %parallel_loop3A_45 = arith.muli %parallel_loop3A_39, %parallel_loop3A_44 : i32
      %parallel_loop3A_46 = arith.index_cast %parallel_loop3A_45 : i32 to index
      %parallel_loop3A_47 = tpu.vector_load %arg10[%parallel_loop3A_46] {strides = array<i32>} : memref<1040xf32, #tpu.memory_space<vmem>>, vector<16xf32>,
      tpu.vector_store %arg10[%parallel_loop3A_46], %broadcast_in_dim3A_13 {strides = array<i32>} : memref<1040xf32, #tpu.memory_space<vmem>>, vector<16xf32>,
    } {sc.loop_unroll_factor = 4 : i64, sc.parallel_access}
    %dma_wait3A = arith.constant 0 : i32
    %dma_wait3A_16 = tpu.memref_slice %arg6[%dma_wait3A] : memref<96xf32, #tpu.memory_space<vmem>> -> memref<89xf32, #tpu.memory_space<vmem>>
    %dma_wait3A_17 = arith.constant 0 : i32
    %dma_wait3A_18 = tpu.memref_slice %arg6[%dma_wait3A_17] : memref<96xf32, #tpu.memory_space<vmem>> -> memref<89xf32, #tpu.memory_space<vmem>>
    tpu.wait_dma2 semaphore(%arg11 : memref<!tpu.dma_semaphore, #tpu.memory_space<semaphore_mem>>) src(%arg2 : memref<89xf32, #tpu.memory_space<hbm>>) dst(%dma_wait3A_18 : memref<89xf32, #tpu.memory_space<vmem>>)
    %not3A_19 = arith.constant true
    %not3A_20 = arith.xori %eq3A_3, %not3A_19 : i1
    %convert_element_type3A_21 = arith.extui %not3A_20 : i1 to i32
    %cond3A_22 = arith.constant 0 : i32
    %cond3A_23 = arith.cmpi ne, %convert_element_type3A_21, %cond3A_22 : i32
    scf.if %cond3A_23 {
      %dma_wait3A_39 = tpu.memref_slice %arg3[%mul3A_2] : memref<100000xi32, #tpu.memory_space<hbm>> -> memref<3136xi32, #tpu.memory_space<hbm>>
      %dma_wait3A_40 = tpu.memref_slice %arg3[%mul3A_2] : memref<100000xi32, #tpu.memory_space<hbm>> -> memref<3136xi32, #tpu.memory_space<hbm>>
      tpu.wait_dma2 semaphore(%arg12 : memref<!tpu.dma_semaphore, #tpu.memory_space<semaphore_mem>>) src(%dma_wait3A_40 : memref<3136xi32, #tpu.memory_space<hbm>>) dst(%arg7 : memref<3136xi32, #tpu.memory_space<vmem>>)
      %dma_wait3A_41 = arith.constant 0 : i32
      %dma_wait3A_42 = tpu.memref_slice %arg8[%dma_wait3A_41] : memref<3152xi32, #tpu.memory_space<vmem>> -> memref<3136xi32, #tpu.memory_space<vmem>>
      %dma_wait3A_43 = tpu.memref_slice %arg4[%mul3A_2] : memref<100000xi32, #tpu.memory_space<hbm>> -> memref<3136xi32, #tpu.memory_space<hbm>>
      %dma_wait3A_44 = arith.constant 0 : i32
      %dma_wait3A_45 = tpu.memref_slice %arg8[%dma_wait3A_44] : memref<3152xi32, #tpu.memory_space<vmem>> -> memref<3136xi32, #tpu.memory_space<vmem>>
      %dma_wait3A_46 = tpu.memref_slice %arg4[%mul3A_2] : memref<100000xi32, #tpu.memory_space<hbm>> -> memref<3136xi32, #tpu.memory_space<hbm>>
      tpu.wait_dma2 semaphore(%arg13 : memref<!tpu.dma_semaphore, #tpu.memory_space<semaphore_mem>>) src(%dma_wait3A_46 : memref<3136xi32, #tpu.memory_space<hbm>>) dst(%dma_wait3A_45 : memref<3136xi32, #tpu.memory_space<vmem>>)
    } else {
    }
    %convert_element_type3A_24 = arith.extui %eq3A_3 : i1 to i32
    %cond3A_25 = arith.constant 0 : i32
    %cond3A_26 = arith.cmpi ne, %convert_element_type3A_24, %cond3A_25 : i32
    scf.if %cond3A_26 {
      %dma_wait3A_39 = arith.constant 0 : i32
      %dma_wait3A_40 = tpu.memref_slice %arg7[%dma_wait3A_39] : memref<3136xi32, #tpu.memory_space<vmem>> -> memref<2784xi32, #tpu.memory_space<vmem>>
      %dma_wait3A_41 = tpu.memref_slice %arg3[%mul3A_2] : memref<100000xi32, #tpu.memory_space<hbm>> -> memref<2784xi32, #tpu.memory_space<hbm>>
      %dma_wait3A_42 = arith.constant 0 : i32
      %dma_wait3A_43 = tpu.memref_slice %arg7[%dma_wait3A_42] : memref<3136xi32, #tpu.memory_space<vmem>> -> memref<2784xi32, #tpu.memory_space<vmem>>
      %dma_wait3A_44 = tpu.memref_slice %arg3[%mul3A_2] : memref<100000xi32, #tpu.memory_space<hbm>> -> memref<2784xi32, #tpu.memory_space<hbm>>
      tpu.wait_dma2 semaphore(%arg12 : memref<!tpu.dma_semaphore, #tpu.memory_space<semaphore_mem>>) src(%dma_wait3A_44 : memref<2784xi32, #tpu.memory_space<hbm>>) dst(%dma_wait3A_43 : memref<2784xi32, #tpu.memory_space<vmem>>)
      %dma_wait3A_45 = arith.constant 0 : i32
      %dma_wait3A_46 = tpu.memref_slice %arg8[%dma_wait3A_45] : memref<3152xi32, #tpu.memory_space<vmem>> -> memref<2784xi32, #tpu.memory_space<vmem>>
      %dma_wait3A_47 = tpu.memref_slice %arg4[%mul3A_2] : memref<100000xi32, #tpu.memory_space<hbm>> -> memref<2784xi32, #tpu.memory_space<hbm>>
      %dma_wait3A_48 = arith.constant 0 : i32
      %dma_wait3A_49 = tpu.memref_slice %arg8[%dma_wait3A_48] : memref<3152xi32, #tpu.memory_space<vmem>> -> memref<2784xi32, #tpu.memory_space<vmem>>
      %dma_wait3A_50 = tpu.memref_slice %arg4[%mul3A_2] : memref<100000xi32, #tpu.memory_space<hbm>> -> memref<2784xi32, #tpu.memory_space<hbm>>
      tpu.wait_dma2 semaphore(%arg13 : memref<!tpu.dma_semaphore, #tpu.memory_space<semaphore_mem>>) src(%dma_wait3A_50 : memref<2784xi32, #tpu.memory_space<hbm>>) dst(%dma_wait3A_49 : memref<2784xi32, #tpu.memory_space<vmem>>)
    } else {
    }
    %broadcast_in_dim3A_27 = arith.constant 1032 : i32
    %broadcast_in_dim3A_28 = vector.broadcast %broadcast_in_dim3A_27 : i32 to vector<16xi32>
    %mul3A_29 = arith.constant 16 : i32
    %mul3A_30 = arith.muli %select_n3A, %mul3A_29 : i32
    %swap3A = arith.index_cast %mul3A_30 : i32 to index
    %swap3A_31 = tpu.vector_load %arg8[%swap3A] {strides = array<i32>} : memref<3152xi32, #tpu.memory_space<vmem>>, vector<16xi32>,
    tpu.vector_store %arg8[%swap3A], %broadcast_in_dim3A_28 {strides = array<i32>} : memref<3152xi32, #tpu.memory_space<vmem>>, vector<16xi32>,
    %parallel_loop3A_32 = arith.constant 0 : i32
    %parallel_loop3A_33 = arith.constant 1 : i32
    %parallel_loop3A_34 = arith.constant 0.000000e+00 : f32
    %parallel_loop3A_35 = scf.for %parallel_loop3A_39 = %parallel_loop3A_32 to %select_n3A step %parallel_loop3A_33 iter_args(%parallel_loop3A_40 = %parallel_loop3A_34) -> (f32)  : i32 {
      %parallel_loop3A_41 = arith.constant 16 : i32
      %parallel_loop3A_42 = arith.muli %parallel_loop3A_39, %parallel_loop3A_41 : i32
      %parallel_loop3A_43 = arith.index_cast %parallel_loop3A_42 : i32 to index
      %parallel_loop3A_44 = tpu.vector_load %arg8[%parallel_loop3A_43] {strides = array<i32>} : memref<3152xi32, #tpu.memory_space<vmem>>, vector<16xi32>,
      %parallel_loop3A_45 = arith.constant 1 : i32
      %parallel_loop3A_46 = arith.addi %parallel_loop3A_42, %parallel_loop3A_45 : i32
      %parallel_loop3A_47 = arith.index_cast %parallel_loop3A_46 : i32 to index
      %parallel_loop3A_48 = tpu.vector_load %arg8[%parallel_loop3A_47] {strides = array<i32>} : memref<3152xi32, #tpu.memory_space<vmem>>, vector<16xi32>,
      %parallel_loop3A_49 = arith.index_cast %parallel_loop3A_42 : i32 to index
      %parallel_loop3A_50 = tpu.vector_load %arg7[%parallel_loop3A_49] {strides = array<i32>} : memref<3136xi32, #tpu.memory_space<vmem>>, vector<16xi32>,
      %parallel_loop3A_51 = tpu.vector_load_idx %arg6[%parallel_loop3A_50] : memref<96xf32, #tpu.memory_space<vmem>>[vector<16xi32>], vector<16xf32>,
      %parallel_loop3A_52 = arith.constant true
      %parallel_loop3A_53 = vector.broadcast %parallel_loop3A_52 : i1 to vector<16xi1>
      %parallel_loop3A_54 = tpu.scan <sum>, %parallel_loop3A_51 masked %parallel_loop3A_53 : vector<16xf32>, vector<16xi1> -> vector<16xf32>
      %parallel_loop3A_55 = vector.broadcast %parallel_loop3A_40 : f32 to vector<16xf32>
      %parallel_loop3A_56 = arith.addf %parallel_loop3A_54, %parallel_loop3A_55 : vector<16xf32>
      %parallel_loop3A_57 = arith.cmpi ne, %parallel_loop3A_44, %parallel_loop3A_48 : vector<16xi32>
      tpu.vector_store_idx %arg10[%parallel_loop3A_44], %parallel_loop3A_56 masked %parallel_loop3A_57 : memref<1040xf32, #tpu.memory_space<vmem>>[vector<16xi32>], vector<16xf32>, vector<16xi1>
      tpu.vector_store_idx %arg9[%parallel_loop3A_48], %parallel_loop3A_56 masked %parallel_loop3A_57 : memref<1040xf32, #tpu.memory_space<vmem>>[vector<16xi32>], vector<16xf32>, vector<16xi1>
      %parallel_loop3A_58 = vector.extract_strided_slice %parallel_loop3A_56 {offsets = [15], sizes = [1], strides = [1]} : vector<16xf32> to vector<1xf32>
      %parallel_loop3A_59 = vector.extract %parallel_loop3A_58[0] : f32 from vector<1xf32>
      scf.yield %parallel_loop3A_59 : f32
    } {sc.loop_unroll_factor = 4 : i64, sc.parallel_access}
    %parallel_loop3A_36 = arith.constant 0 : i32
    %parallel_loop3A_37 = arith.constant 64 : i32
    %parallel_loop3A_38 = arith.constant 1 : i32
    scf.for %parallel_loop3A_39 = %parallel_loop3A_36 to %parallel_loop3A_37 step %parallel_loop3A_38  : i32 {
      %parallel_loop3A_40 = arith.constant 16 : i32
      %parallel_loop3A_41 = arith.muli %parallel_loop3A_39, %parallel_loop3A_40 : i32
      %parallel_loop3A_42 = arith.index_cast %parallel_loop3A_41 : i32 to index
      %parallel_loop3A_43 = tpu.vector_load %arg10[%parallel_loop3A_42] {strides = array<i32>} : memref<1040xf32, #tpu.memory_space<vmem>>, vector<16xf32>,
      %parallel_loop3A_44 = arith.constant 16 : i32
      %parallel_loop3A_45 = arith.muli %parallel_loop3A_39, %parallel_loop3A_44 : i32
      %parallel_loop3A_46 = arith.index_cast %parallel_loop3A_45 : i32 to index
      %parallel_loop3A_47 = tpu.vector_load %arg9[%parallel_loop3A_46] {strides = array<i32>} : memref<1040xf32, #tpu.memory_space<vmem>>, vector<16xf32>,
      %parallel_loop3A_48 = arith.subf %parallel_loop3A_43, %parallel_loop3A_47 : vector<16xf32>
      %parallel_loop3A_49 = arith.constant 16 : i32
      %parallel_loop3A_50 = arith.muli %parallel_loop3A_39, %parallel_loop3A_49 : i32
      %parallel_loop3A_51 = arith.index_cast %parallel_loop3A_50 : i32 to index
      %parallel_loop3A_52 = tpu.vector_load %arg9[%parallel_loop3A_51] {strides = array<i32>} : memref<1040xf32, #tpu.memory_space<vmem>>, vector<16xf32>,
      tpu.vector_store %arg9[%parallel_loop3A_51], %parallel_loop3A_48 {strides = array<i32>} : memref<1040xf32, #tpu.memory_space<vmem>>, vector<16xf32>,
    } {sc.loop_unroll_factor = 4 : i64, sc.parallel_access}
    "tpu.region"() ({
      %run_scoped3A = tpu.sem_alloc : memref<!tpu.dma_semaphore, #tpu.memory_space<semaphore_mem>>
      %dma_start3A_39 = arith.constant 0 : i32
      %dma_start3A_40 = tpu.memref_slice %arg9[%dma_start3A_39] : memref<1040xf32, #tpu.memory_space<vmem>> -> memref<1024xf32, #tpu.memory_space<vmem>>
      %dma_start3A_41 = arith.constant 0 : i32
      %dma_start3A_42 = tpu.memref_slice %arg5[%add3A, %dma_start3A_41] : memref<32x1024xf32, #tpu.memory_space<hbm>> -> memref<1x1024xf32, #tpu.memory_space<hbm>>
      %dma_start3A_43 = tpu.memref_squeeze %dma_start3A_42 : memref<1x1024xf32, #tpu.memory_space<hbm>> -> memref<1024xf32, #tpu.memory_space<hbm>>
      %dma_start3A_44 = arith.constant 0 : i32
      %dma_start3A_45 = tpu.memref_slice %arg5[%add3A, %dma_start3A_44] : memref<32x1024xf32, #tpu.memory_space<hbm>> -> memref<1x1024xf32, #tpu.memory_space<hbm>>
      %dma_start3A_46 = tpu.memref_squeeze %dma_start3A_45 : memref<1x1024xf32, #tpu.memory_space<hbm>> -> memref<1024xf32, #tpu.memory_space<hbm>>
      %dma_start3A_47 = arith.constant 0 : i32
      %dma_start3A_48 = tpu.memref_slice %arg9[%dma_start3A_47] : memref<1040xf32, #tpu.memory_space<vmem>> -> memref<1024xf32, #tpu.memory_space<vmem>>
      tpu.enqueue_dma source(%dma_start3A_48 : memref<1024xf32, #tpu.memory_space<vmem>>) target(%dma_start3A_46 : memref<1024xf32, #tpu.memory_space<hbm>>) target_semaphore(%run_scoped3A : memref<!tpu.dma_semaphore, #tpu.memory_space<semaphore_mem>>)
      %dma_wait3A_49 = arith.constant 0 : i32
      %dma_wait3A_50 = tpu.memref_slice %arg9[%dma_wait3A_49] : memref<1040xf32, #tpu.memory_space<vmem>> -> memref<1024xf32, #tpu.memory_space<vmem>>
      %dma_wait3A_51 = arith.constant 0 : i32
      %dma_wait3A_52 = tpu.memref_slice %arg5[%add3A, %dma_wait3A_51] : memref<32x1024xf32, #tpu.memory_space<hbm>> -> memref<1x1024xf32, #tpu.memory_space<hbm>>
      %dma_wait3A_53 = tpu.memref_squeeze %dma_wait3A_52 : memref<1x1024xf32, #tpu.memory_space<hbm>> -> memref<1024xf32, #tpu.memory_space<hbm>>
      %dma_wait3A_54 = arith.constant 0 : i32
      %dma_wait3A_55 = tpu.memref_slice %arg5[%add3A, %dma_wait3A_54] : memref<32x1024xf32, #tpu.memory_space<hbm>> -> memref<1x1024xf32, #tpu.memory_space<hbm>>
      %dma_wait3A_56 = tpu.memref_squeeze %dma_wait3A_55 : memref<1x1024xf32, #tpu.memory_space<hbm>> -> memref<1024xf32, #tpu.memory_space<hbm>>
      %dma_wait3A_57 = arith.constant 0 : i32
      %dma_wait3A_58 = tpu.memref_slice %arg9[%dma_wait3A_57] : memref<1040xf32, #tpu.memory_space<vmem>> -> memref<1024xf32, #tpu.memory_space<vmem>>
      tpu.wait_dma2 semaphore(%run_scoped3A : memref<!tpu.dma_semaphore, #tpu.memory_space<semaphore_mem>>) src(%dma_wait3A_58 : memref<1024xf32, #tpu.memory_space<vmem>>) dst(%dma_wait3A_56 : memref<1024xf32, #tpu.memory_space<hbm>>)
      tpu.yield
    }) : () -> ()
    return
  }
}

module attributes {stable_mosaic.version = 14 : i64} {
  func.func @_reduce_body(%arg0: memref<32x1024xf32, #tpu.memory_space<vmem>>, %arg1: memref<1024xf32, #tpu.memory_space<vmem>>) attributes {dimension_semantics = [], scalar_prefetch = 0 : i64, scratch_operands = 0 : i64, tpu.core_type = #tpu.core_type<tc>} {
    %get3A = arith.constant 0 : index
    %get3A_0 = arith.constant 0 : index
    %get3A_1 = vector.load %arg0[%get3A, %get3A_0] : memref<32x1024xf32, #tpu.memory_space<vmem>>, vector<32x1024xf32>
    %reduce_sum3A = arith.constant dense<0.000000e+00> : vector<1024xf32>
    %reduce_sum3A_2 = vector.multi_reduction <add>, %get3A_1, %reduce_sum3A [0] : vector<32x1024xf32> to vector<1024xf32>
    %swap3A = arith.constant 0 : index
    %swap3A_3 = vector.load %arg1[%swap3A] : memref<1024xf32, #tpu.memory_space<vmem>>, vector<1024xf32>
    tpu.vector_store %arg1[%swap3A], %reduce_sum3A_2 {strides = array<i32>} : memref<1024xf32, #tpu.memory_space<vmem>>, vector<1024xf32>,
    return
  }
}

</mosaic_0001>

<sc_bundles>
// kernel: kernel.4.cloned.1.call-start
scs
__scs_entry_jumppad:
0x0: {  	(pc) =	sbr.rel $0x88, $3  }
0x1: {  	(tag) =	ssettag $0x0;
	lr =	simm.s32 $0x1  }
0x2: {  	[smem:$0x3F9E] =	sst lr;
	_ =	strace $0xD0000000  }
0x3: {  	_ = 	snop  }
0x4: {  	_ = 	snop  }
0x5: {  	_ = 	snop  }
0x6: {  	_ = 	snop  }
0x7: {  	_ = 	snop  }
__scs_overlays_trampoline_lowered:
0x8: {  	[smem:$0x3FAD] =	sst s0  }
0x9: {  	[smem:$0x3FAE] =	sst s1  }
0xa: {  	[smem:$0x3FAF] =	sst s2  }
0xb: {  	[smem:$0x3FB0] =	sst s3  }
0xc: {  	[smem:$0x3FB1] =	sst s4  }
0xd: {  	[smem:$0x3FB2] =	sst s5  }
0xe: {  	[smem:$0x3FB3] =	sst s6  }
0xf: {  	[smem:$0x3FB4] =	sst s7  }
0x10: {  	[smem:$0x3FB5] =	sst s8  }
0x11: {  	[smem:$0x3FB6] =	sst s9;
	s0 =	simm.s32 @!p0 $0x0  }
0x12: {  	s1 =	sld [smem:$0x3F9C];
	s0 =	simm.s32 @p0 $0x1  }
0x13: {  	[smem:$0x3FB7] =	sst s0;
	s0 =	simm.s32 @!p1 $0x0  }
0x14: {  	s2 =	sld [smem:$0x3F9B];
	s0 =	simm.s32 @p1 $0x1  }
0x15: {  	[smem:$0x3FB8] =	sst s0;
	s0 =	simm.s32 @!p2 $0x0  }
0x16: {  	s3 =	sld [smem:$0x3FDB];
	s0 =	simm.s32 @p2 $0x1  }
0x17: {  	s4 =	simm.s32 $0x1BF5;
	[smem:$0x3FBA] =	sst s0  }
0x18: {  	s0 =	sld [smem:$0x3F9D];
	_ =	swait.ge [sflag:s4], $0x0  }
0x19: {  	s7 =	sld [smem:$0x3F9E]  }
0x1a: {  	s8 =	sadd.s32 $0xFFFFE003, lr  }
0x1b: {  	s9 =	sadd.s32 $0xFFFFFEF7, lr;
	s5 =	simm.s32 $0xFFFFFFFF;
	p2 =	slt.u32 s8, $0xFFFFF086  }
0x1c: {  	p1 =	slt.u32 s9, $0xF7A;
	s5 =	simm.s32 @!p2 $0x0  }
0x1d: {  	s5 =	simm.s32 @p1 $0x1;
	p0 =	seq.s32 s7, s2  }
0x1e: {  	s7 =	smul.u32 @!p0 $0xF7A, s2;
	p2 =	seq.s32 @!p0 s5, $0x0  }
0x1f: {  	s9 =	smul.u32 $0xF7A, s1;
	s8 =	simm.s32 @!p0 $0x1BF5;
	p2 =	por !p2, p0  }
0x20: {  	[sflag:s8] =	ssyncset.s32 @!p0 $0xFFFFF086;
	s6 =	sadd.s32 @!p0 s3, s7;
	s7 =	simm.s32 @!p0 $0x108  }
0x21: {  	s3 =	sadd.s32 s3, s9;
	s6 =	sadd.s32 @!p0 $0x88, s6;
	s7 =	simm.s32 @p2 $0x1082  }
0x22: {  	[simem:s7], [sflag:s8] =	dma.local @!p0 [hbm:s6], $0xF7A  }
0x23: {  	s9 =	sor.u32 $0xD0000000, s2;
	s6 =	simm.s32 $0x108;
	_ =	swait.ge @!p0 [sflag:s8], $0x0  }
0x24: {  	s3 =	sadd.s32 $0x88, s3;
	s6 =	simm.s32 @!p1 $0x1082;
	[sflag:s4] =	ssyncset.s32 $0xFFFFF086  }
0x25: {  	[simem:s6], [sflag:s4] =	dma.local [hbm:s3], $0xF7A  }
0x26: {  	[smem:$0x3F9E] =	sst s1;
	(tag) =	ssettag s2;
	_ =	strace s9  }
0x27: {  	s1 =	sld [smem:$0x3FAE]  }
0x28: {  	s2 =	sld [smem:$0x3FAF]  }
0x29: {  	s4 =	sld [smem:$0x3FB1]  }
0x2a: {  	p0 =	seq.s32 s5, $0x0;
	s5 =	sld [smem:$0x3FB2]  }
0x2b: {  	s6 =	sld [smem:$0x3FB3]  }
0x2c: {  	s7 =	sld [smem:$0x3FB4]  }
0x2d: {  	s3 =	simm.s32 $0x108;
	s8 =	sld [smem:$0x3FB5]  }
0x2e: {  	s3 =	simm.s32 @!p0 $0x1082;
	s9 =	sld [smem:$0x3FB6]  }
0x2f: {  	lr =	sadd.s32 s0, s3;
	s0 =	sld [smem:$0x3FAD]  }
0x30: {  	s3 =	sld [smem:$0x3FB0]  }
0x31: {  	[smem:$0x3FB9] =	sst s10  }
0x32: {  	s10 =	sld [smem:$0x3FB7];
	_ =	sdelay $0x3  }
0x33: {  	p0 =	seq.s32 s10, $0x1;
	s10 =	sld [smem:$0x3FB9];
	_ =	sdelay $0x3  }
0x34: {  	[smem:$0x3FB9] =	sst s10  }
0x35: {  	s10 =	sld [smem:$0x3FB8];
	_ =	sdelay $0x3  }
0x36: {  	p1 =	seq.s32 s10, $0x1;
	s10 =	sld [smem:$0x3FB9];
	_ =	sdelay $0x3  }
0x37: {  	[smem:$0x3FB9] =	sst s10  }
0x38: {  	s10 =	sld [smem:$0x3FBA]  }
0x39: {  	_ = 	snop;
	(pc) =	sbr.ind lr, $3  }
0x3a: {  	_ = 	snop  }
0x3b: {  	_ = 	snop  }
0x3c: {  	p2 =	seq.s32 s10, $0x1;
	s10 =	sld [smem:$0x3FB9]  }
0x3d: {  	_ =	shalt  }
0x3e: {  	_ =	shalt  }
0x3f: {  	_ =	shalt  }
0x40: {  	_ =	shalt  }
0x41: {  	_ =	shalt  }
0x42: {  	_ =	shalt  }
0x43: {  	_ =	shalt  }
0x44: {  	_ =	shalt  }
0x45: {  	_ =	shalt  }
0x46: {  	_ =	shalt  }
0x47: {  	_ =	shalt  }
0x48: {  	_ =	shalt  }
0x49: {  	_ =	shalt  }
0x4a: {  	_ =	shalt  }
0x4b: {  	_ =	shalt  }
0x4c: {  	_ =	shalt  }
0x4d: {  	_ =	shalt  }
0x4e: {  	_ =	shalt  }
0x4f: {  	_ =	shalt  }
0x50: {  	_ =	shalt  }
0x51: {  	_ =	shalt  }
0x52: {  	_ =	shalt  }
0x53: {  	_ =	shalt  }
0x54: {  	_ =	shalt  }
0x55: {  	_ =	shalt  }
0x56: {  	_ =	shalt  }
0x57: {  	_ =	shalt  }
0x58: {  	_ =	shalt  }
0x59: {  	_ =	shalt  }
0x5a: {  	_ =	shalt  }
0x5b: {  	_ =	shalt  }
0x5c: {  	_ =	shalt  }
0x5d: {  	_ =	shalt  }
0x5e: {  	_ =	shalt  }
0x5f: {  	_ =	shalt  }
0x60: {  	_ =	shalt  }
0x61: {  	_ =	shalt  }
0x62: {  	_ =	shalt  }
0x63: {  	_ =	shalt  }
0x64: {  	_ =	shalt  }
0x65: {  	_ =	shalt  }
0x66: {  	_ =	shalt  }
0x67: {  	_ =	shalt  }
0x68: {  	_ =	shalt  }
0x69: {  	_ =	shalt  }
0x6a: {  	_ =	shalt  }
0x6b: {  	_ =	shalt  }
0x6c: {  	_ =	shalt  }
0x6d: {  	_ =	shalt  }
0x6e: {  	_ =	shalt  }
0x6f: {  	_ =	shalt  }
0x70: {  	_ =	shalt  }
0x71: {  	_ =	shalt  }
0x72: {  	_ =	shalt  }
0x73: {  	_ =	shalt  }
0x74: {  	_ =	shalt  }
0x75: {  	_ =	shalt  }
0x76: {  	_ =	shalt  }
0x77: {  	_ =	shalt  }
0x78: {  	_ =	shalt  }
0x79: {  	_ =	shalt  }
0x7a: {  	_ =	shalt  }
0x7b: {  	_ =	shalt  }
0x7c: {  	_ =	shalt  }
0x7d: {  	_ =	shalt  }
0x7e: {  	_ =	shalt  }
0x7f: {  	_ =	shalt  }
0x80: {  	_ =	shalt  }
0x81: {  	_ =	shalt  }
0x82: {  	_ =	shalt  }
0x83: {  	_ =	shalt  }
0x84: {  	_ =	shalt  }
0x85: {  	_ =	shalt  }
0x86: {  	_ =	shalt  }
0x87: {  	_ =	shalt  }
.Lfunc_end0:
.L_simem_size_0:
called_computation_lowered:
.L_overlay_start_0:
0x88: {  	s2 =	sld [smem:$0x3FD9]  }
0x89: {  	s3 =	sld [smem:$0x3FFE];
	_ =	sdelay $0x1  }
0x8a: {  	s1 =	srdreg.scid  }
0x8b: {  	s0 =	sand.u32 $0x1, s1  }
0x8c: {  	s17 =	sshll.u32 s0, $0xA;
	s2 =	sadd.s32 s3, s2  }
0x8d: {  	s2 =	sadd.s32 s2, s17  }
0x8e: {  	[smem:$0x3FC5] =	sst s2  }
0x8f: {  	_ = 	snop  }
0x90: {  	s2 =	sld [smem:$0x3FC9]  }
0x91: {  	s18 =	sld [smem:$0x3FC8]  }
0x92: {  	s4 =	sld [smem:$0x3FC7];
	(tm) =	ssettm $0x1  }
0x93: {  	s5 =	sld [smem:$0x3FFB];
	_ =	sdelay $0x3  }
0x94: {  	_ =	strace s5  }
0x95: {  	s5 =	sld [smem:$0x3FFC];
	_ =	sdelay $0x3  }
0x96: {  	_ =	strace s5  }
0x97: {  	s5 =	sld [smem:$0x3FFD];
	_ =	sdelay $0x3  }
0x98: {  	_ =	strace s5  }
0x99: {  	_ =	strace $0x8FFFFFFF  }
0x9a: {  	s19 =	sld [smem:$0x3FDB];
	_ =	sdelay $0x1  }
0x9b: {  	s6 =	simm.s32 $_scs_section_size  }
0x9c: {  	s7 =	simm.s32 $_size__tile_overlayer_lowered;
	s8 =	simm.s32 $_tile_overlayer_lowered  }
0x9d: {  	s22 =	simm.s32 $0x1BFF;
	s21 =	sshll.u32 s8, $0x1;
	s5 =	sadd.s32 s6, s19  }
0x9e: {  	s9 =	simm.s32 $0x0;
	s20 =	sshll.u32 s7, $0x1;
	s7 =	sadd.s32 s21, s5  }
0x9f: {  	[timem:s9], [sflag:s22] =	dma.local [hbm:s7], s20  }
0xa0: {  	_ =	swait.ge [sflag:s22], s20  }
0xa1: {  	s6 =	ssub.s32 $0x0, s20;
	[sflag:s22] =	ssyncset.done $0x0  }
0xa2: {  	[sflag:s22] =	ssyncadd.s32 s6;
	_ =	sdelay $0x1  }
0xa3: {  	s23 =	simm.s32 $0x1B8B  }
0xa4: {  	_ =	swait.ge [sflag:s23], $0x1  }
0xa5: {  	[sflag:s23] =	ssyncset.done $0x0  }
0xa6: {  	s25 =	simm.s32 $0x1B8E;
	s24 =	sld [smem:$0x3FFE];
	[sflag:s23] =	ssyncadd.s32 $0xFFFFFFFF  }
0xa7: {  	s26 =	simm.s32 $execute0_lowered;
	[smem:$0x3FD2] =	sst s25  }
0xa8: {  	s7 =	sshll.u32 s26, $0x1;
	_ =	strace $0x80000046;
	[dreg:$0x1] =	wrdreg $0xFFFFFFFF  }
0xa9: {  	s28 =	simm.s32 $_size_execute0_lowered;
	s5 =	sadd.s32 s5, s7;
	[dreg:$0x0] =	wrdreg $0x0  }
0xaa: {  	s7 =	sshll.u32 s28, $0x1;
	[dreg:$0x2] =	wrdreg s5  }
0xab: {  	[dreg:$0x3] =	wrdreg s7  }
0xac: {  	[dreg:$0x4] =	wrdreg $0xC0  }
0xad: {  	_ =	task [dreg:s9], $0x5FFFF  }
0xae: {  	[dreg:$0x1] =	wrdreg $0xFFFFFFFF  }
0xaf: {  	[dreg:$0x0] =	wrdreg $0x60  }
0xb0: {  	[dreg:$0x2] =	wrdreg s2  }
0xb1: {  	[dreg:$0x3] =	wrdreg s18  }
0xb2: {  	[dreg:$0x4] =	wrdreg s4  }
0xb3: {  	[dreg:$0x5] =	wrdreg s24  }
0xb4: {  	[dreg:$0x6] =	wrdreg $0x9  }
0xb5: {  	_ =	task.clear_ibuf [dreg:s9], $0x7FFFF;
	_ =	strace $0x90000046  }
0xb6: {  	s29 =	simm.s32 $0x9;
	_ =	strace $0x80000048  }
0xb7: {  	_ =	swait.ge [sflag:s29], $0x1  }
0xb8: {  	[sflag:s29] =	ssyncadd.s32 $0xFFFFFFFF  }
0xb9: {  	_ =	strace $0x90000048  }
0xba: {  	_ =	sfence  }
0xbb: {  	s30 =	sld [smem:$0x0];
	_ =	sdelay $0x2  }
0xbc: {  	s31 =	sshll.u32 s1, $0xD;
	s1 =	sshrl.u32 s1, $0x2  }
0xbd: {  	s3 =	sand.u32 $0x4000, s31;
	s1 =	sadd.s32 s1, s30  }
0xbe: {  	s0 =	sor.u32 s3, s0;
	s1 =	sshll.u32 s1, $0x11  }
0xbf: {  	s0 =	sor.u32 s1, s0  }
0xc0: {  	s0 =	sadd.s32 $0x8F2B, s0  }
0xc1: {  	[sflag:s0] =	ssyncadd.remote.s32 $0x1  }
0xc2: {  	_ =	sfence.sel $0xFFFF  }
0xc3: {  	[dreg:$0x0] =	wrdreg $0xFFFFFFFF;
	(pc) =	sbr.abs _section_cstart, $3  }
0xc4: {  	[dreg:$0x1] =	wrdreg $0xFFFFFFFF  }
0xc5: {  	_ =	task.clear_ibuf [dreg:s9], $0x2FFFF;
	_ =	strace $0x9FFFFFFF  }
0xc6: {  	(tm) =	ssettm $0x7FFFFFFF  }
0xc7: {  	_ =	shalt  }
tec
execute0_lowered:
.L_overlay_start_1:
0x0: {  	(tag) =	ssettag $0x1  }
0x1: {  	s1 =	rddreg [dreg:$0x0]  }
0x2: {  	s7 =	rddreg [dreg:$0x1]  }
0x3: {  	s8 =	rddreg [dreg:$0x2]  }
0x4: {  	s4 =	rddreg [dreg:$0x3]  }
0x5: {  	s0 =	rddreg [dreg:$0x4];
	s3 =	simm.s32 $0x0  }
0x6: {  	s2 =	stileid.u32;
	s5 =	srdreg.scid;
	s15 =	simm.s32 $0x1  }
0x7: {  	s16 =	simm.s32 $0x1E00;
	s17 =	simm.s32 $0x1980;
	s18 =	simm.s32 $0x80  }
0x8: {  	s19 =	simm.s32 $0x400;
	s20 =	simm.s32 $0x4;
	s21 =	simm.s32 $0x0  }
0x9: {  	[smem:$0x7FF] =	sst s3;
	s6 =	sshll.u32 s2, $0x8;
	s5 =	sand.u32 $0x1, s5  }
0xa: {  	s9 =	sshll.u32 s2, $0x1;
	_ =	strace $0x80000047;
	s6 =	sand.u32 $0xC00, s6  }
0xb: {  	s9 =	sor.u32 s5, s9;
	s5 =	ssub.s32 $0x2, s5;
	s11 =	sadd.s32 s6, s4  }
0xc: {  	s30 =	smul.u32 $0x188, s9;
	s10 =	sshrl.u32 s5, $0x1;
	p0 =	seq.s32 s9, $0x1F  }
0xd: {  	s4 =	simm.s32 $0xAE;
	s31 =	sshll.u32 s9, $0x4;
	s12 =	ssub.s32 s5, s10  }
0xe: {  	s4 =	simm.s32 @!p0 $0xC4;
	s13 =	sand.u32 $0x70, s31;
	s5 =	sadd.s32 s7, s30  }
0xf: {  	s6 =	sadd.s32 s8, s30;
	s7 =	sadd.s32 $0x2F78, s7;
	s8 =	sadd.s32 $0x2F78, s8  }
0x10: {  	s9 =	sshll.u32 s4, $0x4;
	s10 =	sand.u32 $0xEC, s4;
	s11 =	sadd.s32 s13, s11  }
0x11: {  	s12 =	smax.u32 s12, $0x1;
	s14 =	sand.u32 $0xEC0, s9;
	s11 =	sadd.s32 $0x600, s11  }
0x12: {  	v0 =	vimm.f32 $0.0e+00;
	v1 =	vimm.s32 $0x408;
	p1 =	sne.s32 s10, s4;
	s13 =	sadd.s32 $0xD01, s14;
	s14 =	sadd.s32 $0x80, s14  }
.LBB2_1:
0x13: {  	[tilespmem:s3], [sflag:$0x1] =	stream.linear.gather [hbm4b:s1+s3], $0x59, $0x38;
	[tilespmem:$0x2280] =	vst v63  }
0x14: {  	s22 =	simm.s32 @p0 $0x0;
	s23 =	simm.s32 @p0 $0x80  }
0x15: {  	[tilespmem:s23], [sflag:$0x2] =	stream.linear.gather @p0 [hbm4b:s7+s22], $0xAE0, $0x38;
	[tilespmem:$0x2280] =	vst v63  }
0x16: {  	s23 =	simm.s32 @p0 $0xD00  }
0x17: {  	[tilespmem:s23], [sflag:$0x3] =	stream.linear.gather @p0 [hbm4b:s8+s22], $0xAE0, $0x38;
	[tilespmem:$0x2280] =	vst v63  }
0x18: {  	s22 =	simm.s32 @!p0 $0x0;
	s23 =	simm.s32 @!p0 $0x80  }
0x19: {  	[tilespmem:s23], [sflag:$0x2] =	stream.linear.gather @!p0 [hbm4b:s5+s22], $0xC40, $0x38;
	[tilespmem:$0x2280] =	vst v63  }
0x1a: {  	s31 =	simm.s32 $0x19A0;
	s23 =	simm.s32 @!p0 $0xD00  }
0x1b: {  	[tilespmem:s23], [sflag:$0x3] =	stream.linear.gather @!p0 [hbm4b:s6+s22], $0xC40, $0x38;
	[tilespmem:$0x2280] =	vst v63  }
0x1c: {  	[tilespmem:s31+$0xFFFFFFF0] =	vst v0  }
0x1d: {  	[tilespmem:s31+$0x0] =	vst v0  }
0x1e: {  	[tilespmem:s31+$0x10] =	vst v0  }
0x1f: {  	s22 =	simm.s32 $0x1E20;
	[tilespmem:s31+$0xFFFFFFE0] =	vst v0  }
0x20: {  	[tilespmem:s22+$0xFFFFFFF0] =	vst v0  }
0x21: {  	[tilespmem:s22+$0x0] =	vst v0  }
0x22: {  	[tilespmem:s22+$0x10] =	vst v0  }
0x23: {  	s24 =	simm.s32 $0x19E0;
	s23 =	simm.s32 $0x0;
	[tilespmem:s22+$0xFFFFFFE0] =	vst v0  }
.LBB2_2:
0x24: {  	[tilespmem:s24+$0xFFFFFFF0] =	vst v0;
	s22 =	sadd.s32 $0x40, s22  }
0x25: {  	s23 =	sadd.s32 $0x4, s23;
	[tilespmem:s22+$0xFFFFFFF0] =	vst v0  }
0x26: {  	p2 =	slt.u32 s23, $0x3C;
	[tilespmem:s24+$0x0] =	vst v0  }
.Ltmp0:
0x27: {  	[tilespmem:s22+$0x0] =	vst v0;
	(pc) =	sbr.rel @p2 .LBB2_2-.Ltmp0, $4  }
0x28: {  	[tilespmem:s24+$0x10] =	vst v0  }
0x29: {  	[tilespmem:s22+$0x10] =	vst v0  }
0x2a: {  	[tilespmem:s24+$0xFFFFFFE0] =	vst v0  }
0x2b: {  	s24 =	sadd.s32 $0x40, s24;
	[tilespmem:s22+$0xFFFFFFE0] =	vst v0  }
0x2c: {  	_ =	swait.ge [sflag:s15], $0x59  }
0x2d: {  	[sflag:s15] =	ssyncset.done $0x0  }
0x2e: {  	s22 =	simm.s32 @p0 $0x2;
	[sflag:s15] =	ssyncadd.s32 $0xFFFFFFA7  }
0x2f: {  	_ =	swait.ge @p0 [sflag:s22], $0xAE0  }
0x30: {  	[sflag:s22] =	ssyncset.done @p0 $0x0  }
0x31: {  	[sflag:s22] =	ssyncadd.s32 @p0 $0xFFFFF520;
	s22 =	simm.s32 @p0 $0x3  }
0x32: {  	_ =	swait.ge @p0 [sflag:s22], $0xAE0  }
0x33: {  	[sflag:s22] =	ssyncset.done @p0 $0x0  }
0x34: {  	[sflag:s22] =	ssyncadd.s32 @p0 $0xFFFFF520;
	s22 =	simm.s32 @!p0 $0x2  }
0x35: {  	_ =	swait.ge @!p0 [sflag:s22], $0xC40  }
0x36: {  	[sflag:s22] =	ssyncset.done @!p0 $0x0  }
0x37: {  	[sflag:s22] =	ssyncadd.s32 @!p0 $0xFFFFF3C0;
	s22 =	simm.s32 @!p0 $0x3  }
0x38: {  	_ =	swait.ge @!p0 [sflag:s22], $0xC40  }
0x39: {  	[sflag:s22] =	ssyncset.done @!p0 $0x0  }
0x3a: {  	[sflag:s22] =	ssyncadd.s32 @!p0 $0xFFFFF3C0  }
0x3b: {  	s24 =	simm.s32 $0xA0;
	[tilespmem:s9+$0xD00] =	vst v1  }
0x3c: {  	v2 =	vld [tilespmem:s24+$0xFFFFFFE0];
	_ =	sdelay $0x4  }
0x3d: {  	v3 =	vld [tilespmem:s24+$0xFFFFFFF0];
	_ =	sdelay $0x2  }
0x3e: {  	v2 =	vld.idx.msk [tilespmem:v2+s3+$0x0], $0xffff;
	_ =	sdelay $0x2  }
0x3f: {  	v4 =	vld [tilespmem:s24+$0x0]  }
0x40: {  	v5 =	vld [tilespmem:s24+$0x10]  }
0x41: {  	s22 =	simm.s32 $0xD20;
	v3 =	vld.idx.msk [tilespmem:v3+s3+$0x0], $0xffff;
	(xrf2) =	vadd.scan.msk.f32 $0xffff, v2  }
0x42: {  	v6 =	vld [tilespmem:s22+$0xFFFFFFE0]  }
0x43: {  	v7 =	vld [tilespmem:s22+$0xFFFFFFE1];
	_ =	sdelay $0x2  }
0x44: {  	(xrf2) =	vadd.scan.msk.f32 $0xffff, v3  }
0x45: {  	v8 =	vld.idx.msk [tilespmem:v4+s3+$0x0], $0xffff  }
0x46: {  	vm0 =	vne.s32 v6, v7  }
0x47: {  	v2 =	vld [tilespmem:s22+$0xFFFFFFF0]  }
0x48: {  	v3 =	vld [tilespmem:s22+$0xFFFFFFF1]  }
0x49: {  	s23 =	simm.f32 $0.0e+00;
	v9 =	vld.idx.msk [tilespmem:v5+s3+$0x0], $0xffff;
	v10, _, _ =	vpop (xrf2)  }
0x4a: {  	(xrf2) =	vadd.scan.msk.f32 $0xffff, v8;
	v10 =	vadd.f32 s23, v10  }
0x4b: {  	v5 =	vld [tilespmem:s22+$0x0]  }
0x4c: {  	p2 =	sgt.u32 s10, $0x4;
	v4 =	vld [tilespmem:s22+$0x1];
	[tilespmem:v6+s16+$0x0] =	vst.idx.msk vm0, v10  }
.Ltmp1:
0x4d: {  	[tilespmem:v7+s17+$0x0] =	vst.idx.msk vm0, v10;
	vm0 =	vne.s32 v2, v3;
	(pc) =	sbr.rel @!p2 .LBB2_5-.Ltmp1, $4  }
0x4e: {  	v8, _, _ =	vpop (xrf2);
	(xrf2) =	vadd.scan.msk.f32 $0xffff, v9  }
0x4f: {  	v11 =	vbroadcast v10, $0xF;
	v6 =	vld [tilespmem:s22+$0x10]  }
0x50: {  	v7 =	vld [tilespmem:s22+$0x11]  }
0x51: {  	s24 =	simm.s32 $0xE0;
	vm1 =	vne.s32 v5, v4;
	s23 =	simm.s32 $0x4;
	v8 =	vadd.f32 v8, v11  }
.LBB2_4:
0x52: {  	v9 =	vld [tilespmem:s24+$0xFFFFFFE0];
	s23 =	sadd.s32 $0x4, s23  }
0x53: {  	p2 =	slt.u32 s23, s10;
	[tilespmem:v2+s16+$0x0] =	vst.idx.msk vm0, v8;
	v2 =	vbroadcast v8, $0xF  }
0x54: {  	[tilespmem:v3+s17+$0x0] =	vst.idx.msk vm0, v8;
	v3, _, _ =	vpop (xrf2)  }
0x55: {  	v8 =	vadd.f32 v3, v2;
	vm0 =	vne.s32 v6, v7  }
0x56: {  	v3 =	vld [tilespmem:s24+$0xFFFFFFF0]  }
0x57: {  	[tilespmem:v5+s16+$0x0] =	vst.idx.msk vm1, v8;
	v5 =	vbroadcast v8, $0xF  }
0x58: {  	[tilespmem:v4+s17+$0x0] =	vst.idx.msk vm1, v8;
	v2, _, _ =	vpop (xrf2)  }
0x59: {  	v4 =	vld [tilespmem:s24+$0x0];
	v2 =	vadd.f32 v2, v5  }
0x5a: {  	v5 =	vld.idx.msk [tilespmem:v9+s3+$0x0], $0xffff  }
0x5b: {  	[tilespmem:v6+s16+$0x0] =	vst.idx.msk vm0, v2;
	(v2sf) =	vpush v2, $0xF  }
0x5c: {  	[tilespmem:v7+s17+$0x0] =	vst.idx.msk vm0, v2  }
0x5d: {  	v6 =	vld [tilespmem:s24+$0x10]  }
0x5e: {  	v3 =	vld.idx.msk [tilespmem:v3+s3+$0x0], $0xffff  }
0x5f: {  	s22 =	sadd.s32 $0x40, s22  }
0x60: {  	v7 =	vld [tilespmem:s22+$0xFFFFFFE0];
	(xrf2) =	vadd.scan.msk.f32 $0xffff, v5  }
0x61: {  	v8 =	vld [tilespmem:s22+$0xFFFFFFE1]  }
0x62: {  	v4 =	vld.idx.msk [tilespmem:v4+s3+$0x0], $0xffff;
	_ =	sdelay $0x1  }
0x63: {  	v2 =	vld [tilespmem:s22+$0xFFFFFFF0];
	(xrf2) =	vadd.scan.msk.f32 $0xffff, v3  }
0x64: {  	v3 =	vld [tilespmem:s22+$0xFFFFFFF1]  }
0x65: {  	v6 =	vld.idx.msk [tilespmem:v6+s3+$0x0], $0xffff  }
0x66: {  	vm1 =	vne.s32 v7, v8  }
0x67: {  	(xrf2) =	vadd.scan.msk.f32 $0xffff, v4  }
0x68: {  	v5 =	vld [tilespmem:s22+$0x0]  }
0x69: {  	v4 =	vld [tilespmem:s22+$0x1];
	v9, _, _ =	vpop (xrf2);
	s25 =	spop (v2sf)  }
.Ltmp2:
0x6a: {  	vm0 =	vne.s32 v2, v3;
	v9 =	vadd.f32 s25, v9;
	(pc) =	sbr.rel @p2 .LBB2_4-.Ltmp2, $4  }
0x6b: {  	(xrf2) =	vadd.scan.msk.f32 $0xffff, v6  }
0x6c: {  	[tilespmem:v7+s16+$0x0] =	vst.idx.msk vm1, v9;
	v10 =	vbroadcast v9, $0xF;
	v6 =	vld [tilespmem:s22+$0x10]  }
0x6d: {  	[tilespmem:v8+s17+$0x0] =	vst.idx.msk vm1, v9;
	v7 =	vld [tilespmem:s22+$0x11];
	v8, _, _ =	vpop (xrf2)  }
0x6e: {  	s24 =	sadd.s32 $0x40, s24;
	v8 =	vadd.f32 v8, v10;
	vm1 =	vne.s32 v5, v4  }
.LBB2_5:
0x6f: {  	_ = 	snop  }
0x70: {  	v9 =	vbroadcast v8, $0xF  }
0x71: {  	v10, _, _ =	vpop (xrf2)  }
0x72: {  	v9 =	vadd.f32 v10, v9;
	_ =	sdelay $0x1  }
0x73: {  	v10 =	vbroadcast v9, $0xF  }
0x74: {  	v11, _, _ =	vpop (xrf2)  }
0x75: {  	v10 =	vadd.f32 v11, v10;
	_ =	sdelay $0x1  }
0x76: {  	(v2sf) =	vpush v10, $0xF;
	_ =	sdelay $0x7  }
0x77: {  	vm2 =	vne.s32 v6, v7;
	_ =	sdelay $0x1  }
0x78: {  	[tilespmem:v2+s16+$0x0] =	vst.idx.msk vm0, v8  }
.Ltmp3:
0x79: {  	[tilespmem:v3+s17+$0x0] =	vst.idx.msk vm0, v8;
	(pc) =	sbr.rel @!p1 .LBB2_6-.Ltmp3, $4  }
0x7a: {  	[tilespmem:v5+s16+$0x0] =	vst.idx.msk vm1, v9  }
0x7b: {  	[tilespmem:v4+s17+$0x0] =	vst.idx.msk vm1, v9  }
0x7c: {  	s22 =	smov.u32 s14;
	[tilespmem:v6+s16+$0x0] =	vst.idx.msk vm2, v10  }
0x7d: {  	s23 =	smov.u32 s13;
	s24 =	smov.u32 s10;
	[tilespmem:v7+s17+$0x0] =	vst.idx.msk vm2, v10;
	s25 =	spop (v2sf)  }
.LBB2_10:
0x7e: {  	v2 =	vld [tilespmem:s22+$0x0];
	_ =	sdelay $0x7  }
0x7f: {  	v2 =	vld.idx.msk [tilespmem:v2+s3+$0x0], $0xffff;
	_ =	sdelay $0x4  }
0x80: {  	(xrf2) =	vadd.scan.msk.f32 $0xffff, v2;
	_ =	sdelay $0x9  }
0x81: {  	v2, _, _ =	vpop (xrf2)  }
0x82: {  	v2 =	vadd.f32 s25, v2;
	_ =	sdelay $0x1  }
0x83: {  	(v2sf) =	vpush v2, $0xF;
	_ =	sdelay $0x1  }
0x84: {  	v3 =	vld [tilespmem:s23+$0xFFFFFFFF]  }
0x85: {  	v4 =	vld [tilespmem:s23+$0x0];
	_ =	sdelay $0x4  }
0x86: {  	vm0 =	vne.s32 v3, v4  }
0x87: {  	s24 =	sadd.s32 $0x1, s24  }
0x88: {  	p2 =	slt.u32 s24, s4  }
.Ltmp4:
0x89: {  	_ = 	snop;
	(pc) =	sbr.rel @p2 .LBB2_10-.Ltmp4, $3  }
0x8a: {  	_ =	sdelay $0x1  }
0x8b: {  	[tilespmem:v3+s16+$0x0] =	vst.idx.msk vm0, v2  }
0x8c: {  	s23 =	sadd.s32 $0x10, s23;
	s22 =	sadd.s32 $0x10, s22;
	[tilespmem:v4+s17+$0x0] =	vst.idx.msk vm0, v2;
	s25 =	spop (v2sf)  }
.LBB2_6:
0x8d: {  	s24 =	simm.s32 $0x1E20  }
0x8e: {  	s22 =	simm.s32 $0x19A0;
	v7 =	vld [tilespmem:s24+$0x10]  }
0x8f: {  	v8 =	vld [tilespmem:s22+$0x10]  }
0x90: {  	v4 =	vld [tilespmem:s22+$0xFFFFFFE0]  }
0x91: {  	v2 =	vld [tilespmem:s24+$0xFFFFFFF0]  }
0x92: {  	v6 =	vld [tilespmem:s22+$0xFFFFFFF0]  }
0x93: {  	v3 =	vld [tilespmem:s24+$0x0]  }
0x94: {  	v5 =	vld [tilespmem:s22+$0x0];
	v8 =	vsub.f32 v7, v8  }
0x95: {  	s23 =	simm.s32 $0x0;
	s25 =	simm.s32 $0x19A0;
	v7 =	vld [tilespmem:s24+$0xFFFFFFE0];
	s24 =	simm.s32 $0x1E60  }
.LBB2_7:
0x96: {  	v9 =	vld [tilespmem:s24+$0x10];
	[tilespmem:s22+$0x10] =	vst v8;
	s25 =	sadd.s32 $0x40, s25  }
0x97: {  	s23 =	sadd.s32 $0x4, s23;
	v8 =	vld [tilespmem:s25+$0x10];
	v6 =	vsub.f32 v2, v6  }
0x98: {  	p2 =	slt.u32 s23, $0x3C;
	v10 =	vld [tilespmem:s25+$0xFFFFFFE0]  }
.Ltmp5:
0x99: {  	v2 =	vld [tilespmem:s24+$0xFFFFFFF0];
	[tilespmem:s22+$0xFFFFFFF0] =	vst v6;
	v5 =	vsub.f32 v3, v5;
	(pc) =	sbr.rel @p2 .LBB2_7-.Ltmp5, $4  }
0x9a: {  	v6 =	vld [tilespmem:s25+$0xFFFFFFF0];
	v11 =	vsub.f32 v7, v4  }
0x9b: {  	v3 =	vld [tilespmem:s24+$0x0];
	[tilespmem:s22+$0x0] =	vst v5  }
0x9c: {  	v5 =	vld [tilespmem:s25+$0x0];
	v8 =	vsub.f32 v9, v8;
	[tilespmem:s22+$0xFFFFFFE0] =	vst v11;
	s22 =	smov.u32 s25  }
0x9d: {  	v7 =	vld [tilespmem:s24+$0xFFFFFFE0];
	s24 =	sadd.s32 $0x40, s24;
	v4 =	vmov v10  }
0x9e: {  	_ =	sdelay $0x1  }
0x9f: {  	v2 =	vsub.f32 v2, v6  }
0xa0: {  	[tilespmem:s22+$0x10] =	vst v8;
	v3 =	vsub.f32 v3, v5  }
0xa1: {  	s21 =	sadd.s32 $0x1, s21;
	[tilespmem:s22+$0xFFFFFFF0] =	vst v2;
	v2 =	vsub.f32 v7, v4  }
0xa2: {  	p2 =	sne.s32 s21, s12;
	[tilespmem:s22+$0x0] =	vst v3  }
.Ltmp6:
0xa3: {  	[tilespmem:s22+$0xFFFFFFE0] =	vst v2;
	(pc) =	sbr.rel @p2 .LBB2_1-.Ltmp6, $4  }
0xa4: {  	[hbm4b:s11+s18] =	stream.strided.scatter [tilespmem:s17], [sflag:$0x4], $0x400, s19, s18, $0x38;
	[tilespmem:$0x2280] =	vst v63  }
0xa5: {  	_ =	swait.ge [sflag:s20], $0x400  }
0xa6: {  	[sflag:s20] =	ssyncset.done $0x0  }
0xa7: {  	[sflag:s20] =	ssyncadd.s32 $0xFFFFFC00  }
0xa8: {  	_ =	sfence.sel $0x180000  }
0xa9: {  	[bflag:$0x0] =	sbarrier.arrive $0xFFFF  }
0xaa: {  	p0 =	sne.s32 s2, $0x0;
	_ =	strace $0x90000047  }
0xab: {  	s0 =	sadd.s32 @!p0 $0x100000, s0;
	[bflag:$0x2] =	sbarrier.arrive $0xFFFF  }
0xac: {  	[sflag:s0] =	ssyncadd.tile.s32 @!p0 $0x1;
	_ =	shalt  }
.Lfunc_end2:
_tile_overlayer_lowered:
.L_overlay_start_2:
0xad: {  	(tag) =	ssettag $0x2  }
0xae: {  	s0 =	rddreg [dreg:$0x0];
	s2 =	stileid.u32  }
0xaf: {  	s1 =	rddreg [dreg:$0x1];
	p0 =	sne.s32 s2, $0x0  }
0xb0: {  	s3 =	rddreg [dreg:$0x2];
	[bflag:$0x3] =	sbarrier.arrive $0xFFFF;
	s2 =	simm.s32 @!p0 $0x1C04  }
0xb1: {  	[timem:s3], [sflag:s2] =	dma.local @!p0 [hbm:s0], s1  }
0xb2: {  	s0 =	simm.s32 @!p0 $0x4  }
0xb3: {  	_ =	swait.ge @!p0 [sflag:s0], s1  }
0xb4: {  	s1 =	ssub.s32 @!p0 $0x0, s1;
	[sflag:s0] =	ssyncset.done @!p0 $0x0  }
0xb5: {  	[sflag:s0] =	ssyncadd.s32 @!p0 s1  }
0xb6: {  	[bflag:$0x3] =	sbarrier.arrive $0xFFFF  }
0xb7: {  	_ =	shalt  }

</sc_bundles>
